<compile_context>
chip_gen: v7x
topology: tpu7x:2x2x1
jax: 0.10.2.dev20260603
libtpu: 0.0.44.dev20260713+nightly
codegen_flags: <defaults>
</compile_context>

<pallas_src>
import functools

import jax
import jax.numpy as jnp
from jax import lax
from jax.experimental import pallas as pl
from jax.experimental.pallas import tpu as pltpu
from jax.experimental.pallas import tpu_sc as plsc

_SEQ = 200
_D = 128
_BPW = 16
_NACT = (_SEQ + _BPW - 1) // _BPW
_PAD = _NACT * _BPW

_smesh = plsc.ScalarSubcoreMesh(axis_name="c", num_cores=1)
_vmesh = plsc.VectorSubcoreMesh(
    core_axis_name="c", subcore_axis_name="s", num_cores=1, num_subcores=_NACT
)


def _scs_body(idx_hbm, emb_hbm, pos_hbm, out_hbm, idx_sh, rdy, idx_v, comb_v,
              sem_p, sem_g):
    del emb_hbm, pos_hbm, out_hbm, idx_v, comb_v, sem_p, sem_g
    pltpu.sync_copy(idx_hbm, idx_sh)
    for i in range(_NACT):
        pltpu.semaphore_signal(rdy, 1, device_id={"s": i})


def _tec_body(idx_hbm, emb_hbm, pos_hbm, out_hbm, idx_sh, rdy, idx_v, comb_v,
              sem_p, sem_g):
    del idx_hbm
    wid = lax.axis_index("s")
    base = jnp.minimum(wid * _BPW, _SEQ - _BPW)
    pos_cp = pltpu.async_copy(
        pos_hbm.at[pl.ds(base, _BPW)], comb_v.at[:, pl.ds(_D, _D)], sem_p
    )
    pltpu.semaphore_wait(rdy, 1)
    pltpu.sync_copy(idx_sh.at[pl.ds(base, _BPW)], idx_v)
    gat = pltpu.async_copy(emb_hbm.at[idx_v], comb_v.at[:, pl.ds(0, _D)], sem_g)
    pos_cp.wait()
    gat.wait()
    pltpu.sync_copy(comb_v, out_hbm.at[pl.ds(base, _BPW)])


_encode = pl.kernel(
    [_scs_body, _tec_body],
    out_type=jax.ShapeDtypeStruct((_SEQ, 2 * _D), jnp.float32),
    mesh=[_smesh, _vmesh],
    scratch_types=[
        pltpu.MemorySpace.VMEM_SHARED((_SEQ,), jnp.int32),
        pltpu.SemaphoreType.REGULAR @ _vmesh,
        pltpu.VMEM((_BPW,), jnp.int32) @ _vmesh,
        pltpu.VMEM((_BPW, 2 * _D), jnp.float32) @ _vmesh,
        pltpu.SemaphoreType.DMA @ _vmesh,
        pltpu.SemaphoreType.DMA @ _vmesh,
    ],
)


def kernel(fnums, emb_table, pos_table):
    idx = fnums.astype(jnp.int32)
    return _encode(idx, emb_table, pos_table)

# --- scband reference (transcript-rebuilt; emitter-appended) ---
"""Pipeline reference for scband-encoder-2508260901083 (READ-ONLY COPY).

The authoritative reference and input builder live on the scoring server;
editing this copy changes nothing except your own understanding.
"""

import jax, jax.numpy as jnp
import numpy as np

VOCAB = 100000
DIMS = 128
MAX_LEN = 256
SEQ = 200

def setup_inputs(seed: int = 0) -> dict:
    key = jax.random.key(seed)
    k1, k2, k3 = jax.random.split(key, 3)
    fnums = jax.random.randint(k1, (SEQ,), 0, VOCAB, dtype=jnp.int64 if jax.config.jax_enable_x64 else jnp.int32)
    emb_table = jax.random.normal(k2, (VOCAB, DIMS), dtype=jnp.float32) * 0.02
    pos_table = jax.random.normal(k3, (MAX_LEN, DIMS), dtype=jnp.float32) * 0.02
    return {"fnums": fnums, "emb_table": emb_table, "pos_table": pos_table}

def reference(fnums, emb_table, pos_table):
    # femb = self.emb(fnums): gather rows from embedding table
    femb = jnp.take(emb_table, fnums, axis=0)
    # fpos = self.pos(arange(len(fnums))): gather positional rows
    n = fnums.shape[0]
    fpos = jnp.take(pos_table, jnp.arange(n), axis=0)
    # cat([femb, fpos], dim=-1) -> [n, 2*dims]
    return jnp.concatenate([femb, fpos], axis=-1)

if __name__ == "__main__":
    import jax
    _d = setup_inputs()
    print(jax.jit(kernel)(*tuple(_d.values())))

</pallas_src>

<mosaic_0001>
#map = affine_map<(d0) -> (0)>
#map1 = affine_map<(d0) -> (0, 0)>
#map2 = affine_map<(d0, d1) -> (0)>
#map3 = affine_map<(d0, d1) -> (0, 0)>
module attributes {stable_mosaic.version = 14 : i64} {
  func.func @_scs_body(%arg0: i32, %arg1: memref<200xi32, #tpu.memory_space<hbm>>, %arg2: memref<100000x128xf32, #tpu.memory_space<hbm>>, %arg3: memref<256x128xf32, #tpu.memory_space<hbm>>, %arg4: memref<200x256xf32, #tpu.memory_space<hbm>>, %arg5: memref<200xi32, #tpu.memory_space<vmem_shared>>, %arg6: memref<!tpu.semaphore, #tpu.memory_space<semaphore_mem, sc_vector_subcore>>, %arg7: memref<16xi32, #tpu.memory_space<vmem, sc_vector_subcore>>, %arg8: memref<16x256xf32, #tpu.memory_space<vmem, sc_vector_subcore>>, %arg9: memref<!tpu.dma_semaphore, #tpu.memory_space<semaphore_mem, sc_vector_subcore>>, %arg10: memref<!tpu.dma_semaphore, #tpu.memory_space<semaphore_mem, sc_vector_subcore>>) attributes {dimension_semantics = [#tpu.dimension_semantics<core_parallel>], iteration_bounds = array<i64: 1>, scalar_prefetch = 0 : i64, scratch_operands = 6 : i64, tpu.core_type = #tpu.core_type<sc_scalar_subcore>, window_params = [{transform_indices = #map}, {transform_indices = #map1}, {transform_indices = #map1}, {transform_indices = #map1}]} {
    "tpu.region"() ({
      %run_scoped3A = tpu.sem_alloc : memref<!tpu.dma_semaphore, #tpu.memory_space<semaphore_mem>>
      tpu.enqueue_dma source(%arg1 : memref<200xi32, #tpu.memory_space<hbm>>) target(%arg5 : memref<200xi32, #tpu.memory_space<vmem_shared>>) target_semaphore(%run_scoped3A : memref<!tpu.dma_semaphore, #tpu.memory_space<semaphore_mem>>)
      tpu.wait_dma2 semaphore(%run_scoped3A : memref<!tpu.dma_semaphore, #tpu.memory_space<semaphore_mem>>) src(%arg1 : memref<200xi32, #tpu.memory_space<hbm>>) dst(%arg5 : memref<200xi32, #tpu.memory_space<vmem_shared>>)
      tpu.yield
    }) : () -> ()
    %semaphore_signal3A = arith.constant 1 : i32
    %semaphore_signal3A_0 = arith.constant 0 : i32
    tpu.sem_signal %arg6, %semaphore_signal3A core_id %arg0 subcore_id %semaphore_signal3A_0 : memref<!tpu.semaphore, #tpu.memory_space<semaphore_mem, sc_vector_subcore>>
    %semaphore_signal3A_1 = arith.constant 1 : i32
    %semaphore_signal3A_2 = arith.constant 1 : i32
    tpu.sem_signal %arg6, %semaphore_signal3A_1 core_id %arg0 subcore_id %semaphore_signal3A_2 : memref<!tpu.semaphore, #tpu.memory_space<semaphore_mem, sc_vector_subcore>>
    %semaphore_signal3A_3 = arith.constant 1 : i32
    %semaphore_signal3A_4 = arith.constant 2 : i32
    tpu.sem_signal %arg6, %semaphore_signal3A_3 core_id %arg0 subcore_id %semaphore_signal3A_4 : memref<!tpu.semaphore, #tpu.memory_space<semaphore_mem, sc_vector_subcore>>
    %semaphore_signal3A_5 = arith.constant 1 : i32
    %semaphore_signal3A_6 = arith.constant 3 : i32
    tpu.sem_signal %arg6, %semaphore_signal3A_5 core_id %arg0 subcore_id %semaphore_signal3A_6 : memref<!tpu.semaphore, #tpu.memory_space<semaphore_mem, sc_vector_subcore>>
    %semaphore_signal3A_7 = arith.constant 1 : i32
    %semaphore_signal3A_8 = arith.constant 4 : i32
    tpu.sem_signal %arg6, %semaphore_signal3A_7 core_id %arg0 subcore_id %semaphore_signal3A_8 : memref<!tpu.semaphore, #tpu.memory_space<semaphore_mem, sc_vector_subcore>>
    %semaphore_signal3A_9 = arith.constant 1 : i32
    %semaphore_signal3A_10 = arith.constant 5 : i32
    tpu.sem_signal %arg6, %semaphore_signal3A_9 core_id %arg0 subcore_id %semaphore_signal3A_10 : memref<!tpu.semaphore, #tpu.memory_space<semaphore_mem, sc_vector_subcore>>
    %semaphore_signal3A_11 = arith.constant 1 : i32
    %semaphore_signal3A_12 = arith.constant 6 : i32
    tpu.sem_signal %arg6, %semaphore_signal3A_11 core_id %arg0 subcore_id %semaphore_signal3A_12 : memref<!tpu.semaphore, #tpu.memory_space<semaphore_mem, sc_vector_subcore>>
    %semaphore_signal3A_13 = arith.constant 1 : i32
    %semaphore_signal3A_14 = arith.constant 7 : i32
    tpu.sem_signal %arg6, %semaphore_signal3A_13 core_id %arg0 subcore_id %semaphore_signal3A_14 : memref<!tpu.semaphore, #tpu.memory_space<semaphore_mem, sc_vector_subcore>>
    %semaphore_signal3A_15 = arith.constant 1 : i32
    %semaphore_signal3A_16 = arith.constant 8 : i32
    tpu.sem_signal %arg6, %semaphore_signal3A_15 core_id %arg0 subcore_id %semaphore_signal3A_16 : memref<!tpu.semaphore, #tpu.memory_space<semaphore_mem, sc_vector_subcore>>
    %semaphore_signal3A_17 = arith.constant 1 : i32
    %semaphore_signal3A_18 = arith.constant 9 : i32
    tpu.sem_signal %arg6, %semaphore_signal3A_17 core_id %arg0 subcore_id %semaphore_signal3A_18 : memref<!tpu.semaphore, #tpu.memory_space<semaphore_mem, sc_vector_subcore>>
    %semaphore_signal3A_19 = arith.constant 1 : i32
    %semaphore_signal3A_20 = arith.constant 10 : i32
    tpu.sem_signal %arg6, %semaphore_signal3A_19 core_id %arg0 subcore_id %semaphore_signal3A_20 : memref<!tpu.semaphore, #tpu.memory_space<semaphore_mem, sc_vector_subcore>>
    %semaphore_signal3A_21 = arith.constant 1 : i32
    %semaphore_signal3A_22 = arith.constant 11 : i32
    tpu.sem_signal %arg6, %semaphore_signal3A_21 core_id %arg0 subcore_id %semaphore_signal3A_22 : memref<!tpu.semaphore, #tpu.memory_space<semaphore_mem, sc_vector_subcore>>
    %semaphore_signal3A_23 = arith.constant 1 : i32
    %semaphore_signal3A_24 = arith.constant 12 : i32
    tpu.sem_signal %arg6, %semaphore_signal3A_23 core_id %arg0 subcore_id %semaphore_signal3A_24 : memref<!tpu.semaphore, #tpu.memory_space<semaphore_mem, sc_vector_subcore>>
    return
  }
  func.func @_tec_body(%arg0: i32, %arg1: i32, %arg2: memref<200xi32, #tpu.memory_space<hbm>>, %arg3: memref<100000x128xf32, #tpu.memory_space<hbm>>, %arg4: memref<256x128xf32, #tpu.memory_space<hbm>>, %arg5: memref<200x256xf32, #tpu.memory_space<hbm>>, %arg6: memref<200xi32, #tpu.memory_space<vmem_shared>>, %arg7: memref<!tpu.semaphore, #tpu.memory_space<semaphore_mem>>, %arg8: memref<16xi32, #tpu.memory_space<vmem>>, %arg9: memref<16x256xf32, #tpu.memory_space<vmem>>, %arg10: memref<!tpu.dma_semaphore, #tpu.memory_space<semaphore_mem>>, %arg11: memref<!tpu.dma_semaphore, #tpu.memory_space<semaphore_mem>>) attributes {dimension_semantics = [#tpu.dimension_semantics<core_parallel>, #tpu.dimension_semantics<subcore_parallel>], iteration_bounds = array<i64: 1, 13>, scalar_prefetch = 0 : i64, scratch_operands = 6 : i64, tpu.core_type = #tpu.core_type<sc_vector_subcore>, window_params = [{transform_indices = #map2}, {transform_indices = #map3}, {transform_indices = #map3}, {transform_indices = #map3}]} {
    %mul3A = arith.constant 16 : i32
    %mul3A_0 = arith.muli %arg1, %mul3A : i32
    %min3A = arith.constant 184 : i32
    %min3A_1 = arith.minsi %mul3A_0, %min3A : i32
    %dma_start3A = arith.constant 0 : i32
    %dma_start3A_2 = arith.constant 128 : i32
    %dma_start3A_3 = tpu.memref_slice %arg9[%dma_start3A, %dma_start3A_2] : memref<16x256xf32, #tpu.memory_space<vmem>> -> memref<16x128xf32, #tpu.memory_space<vmem>>
    %dma_start3A_4 = arith.constant 0 : i32
    %dma_start3A_5 = tpu.memref_slice %arg4[%min3A_1, %dma_start3A_4] : memref<256x128xf32, #tpu.memory_space<hbm>> -> memref<16x128xf32, #tpu.memory_space<hbm>>
    %dma_start3A_6 = arith.constant 0 : i32
    %dma_start3A_7 = arith.constant 128 : i32
    %dma_start3A_8 = tpu.memref_slice %arg9[%dma_start3A_6, %dma_start3A_7] : memref<16x256xf32, #tpu.memory_space<vmem>> -> memref<16x128xf32, #tpu.memory_space<vmem>>
    %dma_start3A_9 = arith.constant 0 : i32
    %dma_start3A_10 = tpu.memref_slice %arg4[%min3A_1, %dma_start3A_9] : memref<256x128xf32, #tpu.memory_space<hbm>> -> memref<16x128xf32, #tpu.memory_space<hbm>>
    tpu.enqueue_dma source(%dma_start3A_10 : memref<16x128xf32, #tpu.memory_space<hbm>>) target(%dma_start3A_8 : memref<16x128xf32, #tpu.memory_space<vmem>>) target_semaphore(%arg10 : memref<!tpu.dma_semaphore, #tpu.memory_space<semaphore_mem>>)
    %semaphore_wait3A = arith.constant 1 : i32
    %semaphore_wait3A_11 = arith.constant true
    tpu.sem_wait %arg7, %semaphore_wait3A : memref<!tpu.semaphore, #tpu.memory_space<semaphore_mem>>
    "tpu.region"() ({
      %run_scoped3A = tpu.sem_alloc : memref<!tpu.dma_semaphore, #tpu.memory_space<semaphore_mem>>
      %dma_start3A_33 = tpu.memref_slice %arg6[%min3A_1] : memref<200xi32, #tpu.memory_space<vmem_shared>> -> memref<16xi32, #tpu.memory_space<vmem_shared>>
      %dma_start3A_34 = tpu.memref_slice %arg6[%min3A_1] : memref<200xi32, #tpu.memory_space<vmem_shared>> -> memref<16xi32, #tpu.memory_space<vmem_shared>>
      tpu.enqueue_dma source(%dma_start3A_34 : memref<16xi32, #tpu.memory_space<vmem_shared>>) target(%arg8 : memref<16xi32, #tpu.memory_space<vmem>>) target_semaphore(%run_scoped3A : memref<!tpu.dma_semaphore, #tpu.memory_space<semaphore_mem>>)
      %dma_wait3A_35 = tpu.memref_slice %arg6[%min3A_1] : memref<200xi32, #tpu.memory_space<vmem_shared>> -> memref<16xi32, #tpu.memory_space<vmem_shared>>
      %dma_wait3A_36 = tpu.memref_slice %arg6[%min3A_1] : memref<200xi32, #tpu.memory_space<vmem_shared>> -> memref<16xi32, #tpu.memory_space<vmem_shared>>
      tpu.wait_dma2 semaphore(%run_scoped3A : memref<!tpu.dma_semaphore, #tpu.memory_space<semaphore_mem>>) src(%dma_wait3A_36 : memref<16xi32, #tpu.memory_space<vmem_shared>>) dst(%arg8 : memref<16xi32, #tpu.memory_space<vmem>>)
      tpu.yield
    }) : () -> ()
    %dma_start3A_12 = arith.constant 0 : i32
    %dma_start3A_13 = arith.constant 0 : i32
    %dma_start3A_14 = tpu.memref_slice %arg9[%dma_start3A_12, %dma_start3A_13] : memref<16x256xf32, #tpu.memory_space<vmem>> -> memref<16x128xf32, #tpu.memory_space<vmem>>
    %dma_start3A_15 = arith.constant 0 : i32
    %dma_start3A_16 = arith.constant 0 : i32
    %dma_start3A_17 = tpu.memref_slice %arg3[%dma_start3A_15, %dma_start3A_16] : memref<100000x128xf32, #tpu.memory_space<hbm>> -> memref<100000x128xf32, #tpu.memory_space<hbm>>
    tpu.enqueue_indirect_dma source(%dma_start3A_17 : memref<100000x128xf32, #tpu.memory_space<hbm>>) target(%dma_start3A_14 : memref<16x128xf32, #tpu.memory_space<vmem>>) offsets(%arg8 : memref<16xi32, #tpu.memory_space<vmem>>) semaphore(%arg11 : memref<!tpu.dma_semaphore, #tpu.memory_space<semaphore_mem>>)
    %dma_wait3A = arith.constant 0 : i32
    %dma_wait3A_18 = arith.constant 128 : i32
    %dma_wait3A_19 = tpu.memref_slice %arg9[%dma_wait3A, %dma_wait3A_18] : memref<16x256xf32, #tpu.memory_space<vmem>> -> memref<16x128xf32, #tpu.memory_space<vmem>>
    %dma_wait3A_20 = arith.constant 0 : i32
    %dma_wait3A_21 = tpu.memref_slice %arg4[%min3A_1, %dma_wait3A_20] : memref<256x128xf32, #tpu.memory_space<hbm>> -> memref<16x128xf32, #tpu.memory_space<hbm>>
    %dma_wait3A_22 = arith.constant 0 : i32
    %dma_wait3A_23 = arith.constant 128 : i32
    %dma_wait3A_24 = tpu.memref_slice %arg9[%dma_wait3A_22, %dma_wait3A_23] : memref<16x256xf32, #tpu.memory_space<vmem>> -> memref<16x128xf32, #tpu.memory_space<vmem>>
    %dma_wait3A_25 = arith.constant 0 : i32
    %dma_wait3A_26 = tpu.memref_slice %arg4[%min3A_1, %dma_wait3A_25] : memref<256x128xf32, #tpu.memory_space<hbm>> -> memref<16x128xf32, #tpu.memory_space<hbm>>
    tpu.wait_dma2 semaphore(%arg10 : memref<!tpu.dma_semaphore, #tpu.memory_space<semaphore_mem>>) src(%dma_wait3A_26 : memref<16x128xf32, #tpu.memory_space<hbm>>) dst(%dma_wait3A_24 : memref<16x128xf32, #tpu.memory_space<vmem>>)
    %dma_wait3A_27 = arith.constant 0 : i32
    %dma_wait3A_28 = arith.constant 0 : i32
    %dma_wait3A_29 = tpu.memref_slice %arg9[%dma_wait3A_27, %dma_wait3A_28] : memref<16x256xf32, #tpu.memory_space<vmem>> -> memref<16x128xf32, #tpu.memory_space<vmem>>
    %dma_wait3A_30 = arith.constant 0 : i32
    %dma_wait3A_31 = arith.constant 0 : i32
    %dma_wait3A_32 = tpu.memref_slice %arg3[%dma_wait3A_30, %dma_wait3A_31] : memref<100000x128xf32, #tpu.memory_space<hbm>> -> memref<100000x128xf32, #tpu.memory_space<hbm>>
    tpu.wait_indirect_dma semaphore(%arg11 : memref<!tpu.dma_semaphore, #tpu.memory_space<semaphore_mem>>) src(%dma_wait3A_32 : memref<100000x128xf32, #tpu.memory_space<hbm>>) dst(%dma_wait3A_29 : memref<16x128xf32, #tpu.memory_space<vmem>>)
    "tpu.region"() ({
      %run_scoped3A = tpu.sem_alloc : memref<!tpu.dma_semaphore, #tpu.memory_space<semaphore_mem>>
      %dma_start3A_33 = arith.constant 0 : i32
      %dma_start3A_34 = tpu.memref_slice %arg5[%min3A_1, %dma_start3A_33] : memref<200x256xf32, #tpu.memory_space<hbm>> -> memref<16x256xf32, #tpu.memory_space<hbm>>
      %dma_start3A_35 = arith.constant 0 : i32
      %dma_start3A_36 = tpu.memref_slice %arg5[%min3A_1, %dma_start3A_35] : memref<200x256xf32, #tpu.memory_space<hbm>> -> memref<16x256xf32, #tpu.memory_space<hbm>>
      tpu.enqueue_dma source(%arg9 : memref<16x256xf32, #tpu.memory_space<vmem>>) target(%dma_start3A_36 : memref<16x256xf32, #tpu.memory_space<hbm>>) target_semaphore(%run_scoped3A : memref<!tpu.dma_semaphore, #tpu.memory_space<semaphore_mem>>)
      %dma_wait3A_37 = arith.constant 0 : i32
      %dma_wait3A_38 = tpu.memref_slice %arg5[%min3A_1, %dma_wait3A_37] : memref<200x256xf32, #tpu.memory_space<hbm>> -> memref<16x256xf32, #tpu.memory_space<hbm>>
      %dma_wait3A_39 = arith.constant 0 : i32
      %dma_wait3A_40 = tpu.memref_slice %arg5[%min3A_1, %dma_wait3A_39] : memref<200x256xf32, #tpu.memory_space<hbm>> -> memref<16x256xf32, #tpu.memory_space<hbm>>
      tpu.wait_dma2 semaphore(%run_scoped3A : memref<!tpu.dma_semaphore, #tpu.memory_space<semaphore_mem>>) src(%arg9 : memref<16x256xf32, #tpu.memory_space<vmem>>) dst(%dma_wait3A_40 : memref<16x256xf32, #tpu.memory_space<hbm>>)
      tpu.yield
    }) : () -> ()
    return
  }
}

</mosaic_0001>

<sc_bundles>
// kernel: kernel.3.cloned.1.call-start
scs
__scs_entry_jumppad:
0x0: {  	(pc) =	sbr.rel $0x88, $3  }
0x1: {  	(tag) =	ssettag $0x0;
	lr =	simm.s32 $0x1  }
0x2: {  	[smem:$0x3F9E] =	sst lr;
	_ =	strace $0xD0000000  }
0x3: {  	_ = 	snop  }
0x4: {  	_ = 	snop  }
0x5: {  	_ = 	snop  }
0x6: {  	_ = 	snop  }
0x7: {  	_ = 	snop  }
__scs_overlays_trampoline_lowered:
0x8: {  	[smem:$0x3FAD] =	sst s0  }
0x9: {  	[smem:$0x3FAE] =	sst s1  }
0xa: {  	[smem:$0x3FAF] =	sst s2  }
0xb: {  	[smem:$0x3FB0] =	sst s3  }
0xc: {  	[smem:$0x3FB1] =	sst s4  }
0xd: {  	[smem:$0x3FB2] =	sst s5  }
0xe: {  	[smem:$0x3FB3] =	sst s6  }
0xf: {  	[smem:$0x3FB4] =	sst s7  }
0x10: {  	[smem:$0x3FB5] =	sst s8  }
0x11: {  	[smem:$0x3FB6] =	sst s9;
	s0 =	simm.s32 @!p0 $0x0  }
0x12: {  	s1 =	sld [smem:$0x3F9C];
	s0 =	simm.s32 @p0 $0x1  }
0x13: {  	[smem:$0x3FB7] =	sst s0;
	s0 =	simm.s32 @!p1 $0x0  }
0x14: {  	s2 =	sld [smem:$0x3F9B];
	s0 =	simm.s32 @p1 $0x1  }
0x15: {  	[smem:$0x3FB8] =	sst s0;
	s0 =	simm.s32 @!p2 $0x0  }
0x16: {  	s3 =	sld [smem:$0x3FDB];
	s0 =	simm.s32 @p2 $0x1  }
0x17: {  	s4 =	simm.s32 $0x1BF5;
	[smem:$0x3FBA] =	sst s0  }
0x18: {  	s0 =	sld [smem:$0x3F9D];
	_ =	swait.ge [sflag:s4], $0x0  }
0x19: {  	s7 =	sld [smem:$0x3F9E]  }
0x1a: {  	s8 =	sadd.s32 $0xFFFFE003, lr  }
0x1b: {  	s9 =	sadd.s32 $0xFFFFFEF7, lr;
	s5 =	simm.s32 $0xFFFFFFFF;
	p2 =	slt.u32 s8, $0xFFFFF086  }
0x1c: {  	p1 =	slt.u32 s9, $0xF7A;
	s5 =	simm.s32 @!p2 $0x0  }
0x1d: {  	s5 =	simm.s32 @p1 $0x1;
	p0 =	seq.s32 s7, s2  }
0x1e: {  	s7 =	smul.u32 @!p0 $0xF7A, s2;
	p2 =	seq.s32 @!p0 s5, $0x0  }
0x1f: {  	s9 =	smul.u32 $0xF7A, s1;
	s8 =	simm.s32 @!p0 $0x1BF5;
	p2 =	por !p2, p0  }
0x20: {  	[sflag:s8] =	ssyncset.s32 @!p0 $0xFFFFF086;
	s6 =	sadd.s32 @!p0 s3, s7;
	s7 =	simm.s32 @!p0 $0x108  }
0x21: {  	s3 =	sadd.s32 s3, s9;
	s6 =	sadd.s32 @!p0 $0x88, s6;
	s7 =	simm.s32 @p2 $0x1082  }
0x22: {  	[simem:s7], [sflag:s8] =	dma.local @!p0 [hbm:s6], $0xF7A  }
0x23: {  	s9 =	sor.u32 $0xD0000000, s2;
	s6 =	simm.s32 $0x108;
	_ =	swait.ge @!p0 [sflag:s8], $0x0  }
0x24: {  	s3 =	sadd.s32 $0x88, s3;
	s6 =	simm.s32 @!p1 $0x1082;
	[sflag:s4] =	ssyncset.s32 $0xFFFFF086  }
0x25: {  	[simem:s6], [sflag:s4] =	dma.local [hbm:s3], $0xF7A  }
0x26: {  	[smem:$0x3F9E] =	sst s1;
	(tag) =	ssettag s2;
	_ =	strace s9  }
0x27: {  	s1 =	sld [smem:$0x3FAE]  }
0x28: {  	s2 =	sld [smem:$0x3FAF]  }
0x29: {  	s4 =	sld [smem:$0x3FB1]  }
0x2a: {  	p0 =	seq.s32 s5, $0x0;
	s5 =	sld [smem:$0x3FB2]  }
0x2b: {  	s6 =	sld [smem:$0x3FB3]  }
0x2c: {  	s7 =	sld [smem:$0x3FB4]  }
0x2d: {  	s3 =	simm.s32 $0x108;
	s8 =	sld [smem:$0x3FB5]  }
0x2e: {  	s3 =	simm.s32 @!p0 $0x1082;
	s9 =	sld [smem:$0x3FB6]  }
0x2f: {  	lr =	sadd.s32 s0, s3;
	s0 =	sld [smem:$0x3FAD]  }
0x30: {  	s3 =	sld [smem:$0x3FB0]  }
0x31: {  	[smem:$0x3FB9] =	sst s10  }
0x32: {  	s10 =	sld [smem:$0x3FB7];
	_ =	sdelay $0x3  }
0x33: {  	p0 =	seq.s32 s10, $0x1;
	s10 =	sld [smem:$0x3FB9];
	_ =	sdelay $0x3  }
0x34: {  	[smem:$0x3FB9] =	sst s10  }
0x35: {  	s10 =	sld [smem:$0x3FB8];
	_ =	sdelay $0x3  }
0x36: {  	p1 =	seq.s32 s10, $0x1;
	s10 =	sld [smem:$0x3FB9];
	_ =	sdelay $0x3  }
0x37: {  	[smem:$0x3FB9] =	sst s10  }
0x38: {  	s10 =	sld [smem:$0x3FBA]  }
0x39: {  	_ = 	snop;
	(pc) =	sbr.ind lr, $3  }
0x3a: {  	_ = 	snop  }
0x3b: {  	_ = 	snop  }
0x3c: {  	p2 =	seq.s32 s10, $0x1;
	s10 =	sld [smem:$0x3FB9]  }
0x3d: {  	_ =	shalt  }
0x3e: {  	_ =	shalt  }
0x3f: {  	_ =	shalt  }
0x40: {  	_ =	shalt  }
0x41: {  	_ =	shalt  }
0x42: {  	_ =	shalt  }
0x43: {  	_ =	shalt  }
0x44: {  	_ =	shalt  }
0x45: {  	_ =	shalt  }
0x46: {  	_ =	shalt  }
0x47: {  	_ =	shalt  }
0x48: {  	_ =	shalt  }
0x49: {  	_ =	shalt  }
0x4a: {  	_ =	shalt  }
0x4b: {  	_ =	shalt  }
0x4c: {  	_ =	shalt  }
0x4d: {  	_ =	shalt  }
0x4e: {  	_ =	shalt  }
0x4f: {  	_ =	shalt  }
0x50: {  	_ =	shalt  }
0x51: {  	_ =	shalt  }
0x52: {  	_ =	shalt  }
0x53: {  	_ =	shalt  }
0x54: {  	_ =	shalt  }
0x55: {  	_ =	shalt  }
0x56: {  	_ =	shalt  }
0x57: {  	_ =	shalt  }
0x58: {  	_ =	shalt  }
0x59: {  	_ =	shalt  }
0x5a: {  	_ =	shalt  }
0x5b: {  	_ =	shalt  }
0x5c: {  	_ =	shalt  }
0x5d: {  	_ =	shalt  }
0x5e: {  	_ =	shalt  }
0x5f: {  	_ =	shalt  }
0x60: {  	_ =	shalt  }
0x61: {  	_ =	shalt  }
0x62: {  	_ =	shalt  }
0x63: {  	_ =	shalt  }
0x64: {  	_ =	shalt  }
0x65: {  	_ =	shalt  }
0x66: {  	_ =	shalt  }
0x67: {  	_ =	shalt  }
0x68: {  	_ =	shalt  }
0x69: {  	_ =	shalt  }
0x6a: {  	_ =	shalt  }
0x6b: {  	_ =	shalt  }
0x6c: {  	_ =	shalt  }
0x6d: {  	_ =	shalt  }
0x6e: {  	_ =	shalt  }
0x6f: {  	_ =	shalt  }
0x70: {  	_ =	shalt  }
0x71: {  	_ =	shalt  }
0x72: {  	_ =	shalt  }
0x73: {  	_ =	shalt  }
0x74: {  	_ =	shalt  }
0x75: {  	_ =	shalt  }
0x76: {  	_ =	shalt  }
0x77: {  	_ =	shalt  }
0x78: {  	_ =	shalt  }
0x79: {  	_ =	shalt  }
0x7a: {  	_ =	shalt  }
0x7b: {  	_ =	shalt  }
0x7c: {  	_ =	shalt  }
0x7d: {  	_ =	shalt  }
0x7e: {  	_ =	shalt  }
0x7f: {  	_ =	shalt  }
0x80: {  	_ =	shalt  }
0x81: {  	_ =	shalt  }
0x82: {  	_ =	shalt  }
0x83: {  	_ =	shalt  }
0x84: {  	_ =	shalt  }
0x85: {  	_ =	shalt  }
0x86: {  	_ =	shalt  }
0x87: {  	_ =	shalt  }
.Lfunc_end0:
.L_simem_size_0:
called_computation_lowered:
.L_overlay_start_0:
0x88: {  	s0 =	sld [smem:$0x3FD9]  }
0x89: {  	s1 =	sld [smem:$0x3FFE];
	_ =	sdelay $0x3  }
0x8a: {  	s0 =	sadd.s32 s1, s0  }
0x8b: {  	[smem:$0x3FC5] =	sst s0  }
0x8c: {  	_ = 	snop  }
0x8d: {  	s29 =	sld [smem:$0x3FC9]  }
0x8e: {  	s2 =	sld [smem:$0x3FC8]  }
0x8f: {  	s3 =	sld [smem:$0x3FC7]  }
0x90: {  	s4 =	sld [smem:$0x3FD0];
	(tm) =	ssettm $0x1  }
0x91: {  	s30 =	sld [smem:$0x3FFB];
	_ =	sdelay $0x3  }
0x92: {  	_ =	strace s30  }
0x93: {  	s0 =	sld [smem:$0x3FFC];
	_ =	sdelay $0x3  }
0x94: {  	_ =	strace s0  }
0x95: {  	s0 =	sld [smem:$0x3FFD];
	_ =	sdelay $0x3  }
0x96: {  	_ =	strace s0  }
0x97: {  	_ =	strace $0x8FFFFFFF  }
0x98: {  	s31 =	sld [smem:$0x3FDB];
	_ =	sdelay $0x1  }
0x99: {  	s5 =	simm.s32 $_scs_section_size  }
0x9a: {  	s6 =	simm.s32 $_size__tile_overlayer_lowered;
	s7 =	simm.s32 $_tile_overlayer_lowered  }
0x9b: {  	s8 =	simm.s32 $0x1BFF;
	s7 =	sshll.u32 s7, $0x1;
	s5 =	sadd.s32 s5, s31  }
0x9c: {  	s6 =	sshll.u32 s6, $0x1;
	s0 =	simm.s32 $0x0;
	s7 =	sadd.s32 s7, s5  }
0x9d: {  	[timem:s0], [sflag:s8] =	dma.local [hbm:s7], s6  }
0x9e: {  	_ =	swait.ge [sflag:s8], s6  }
0x9f: {  	s6 =	ssub.s32 $0x0, s6;
	[sflag:s8] =	ssyncset.done $0x0  }
0xa0: {  	[sflag:s8] =	ssyncadd.s32 s6;
	_ =	sdelay $0x1  }
0xa1: {  	s8 =	simm.s32 $0x1B8B  }
0xa2: {  	_ =	swait.ge [sflag:s8], $0x1  }
0xa3: {  	[sflag:s8] =	ssyncset.done $0x0  }
0xa4: {  	s9 =	simm.s32 $0x1B8E;
	[sflag:s8] =	ssyncadd.s32 $0xFFFFFFFF  }
0xa5: {  	s10 =	simm.s32 $execute0_lowered;
	[smem:$0x3FD2] =	sst s9  }
0xa6: {  	s6 =	sshll.u32 s10, $0x1;
	_ =	strace $0x80000046;
	[dreg:$0x1] =	wrdreg $0xFFFFFFFF  }
0xa7: {  	s11 =	simm.s32 $_size_execute0_lowered;
	s5 =	sadd.s32 s5, s6;
	[dreg:$0x0] =	wrdreg $0x0  }
0xa8: {  	s6 =	sshll.u32 s11, $0x1;
	[dreg:$0x2] =	wrdreg s5  }
0xa9: {  	[dreg:$0x3] =	wrdreg s6  }
0xaa: {  	[dreg:$0x4] =	wrdreg $0xC0  }
0xab: {  	_ =	task [dreg:s0], $0x5FFFF  }
0xac: {  	[dreg:$0x1] =	wrdreg $0xFFFFFFFF  }
0xad: {  	[dreg:$0x0] =	wrdreg $0x60  }
0xae: {  	[dreg:$0x2] =	wrdreg s2  }
0xaf: {  	[dreg:$0x3] =	wrdreg s3  }
0xb0: {  	[dreg:$0x4] =	wrdreg s4  }
0xb1: {  	[dreg:$0x5] =	wrdreg $0x0  }
0xb2: {  	[dreg:$0x6] =	wrdreg $0x9  }
0xb3: {  	s12 =	simm.s32 $0xA;
	_ =	task.clear_ibuf [dreg:s0], $0x7FFFF  }
0xb4: {  	[spmem:s0], [sflag:s12] =	dma.local [hbm:s29], $0x20  }
0xb5: {  	_ =	swait.ge [sflag:s12], $0x20  }
0xb6: {  	[sflag:s12] =	ssyncset.done $0x0  }
0xb7: {  	[sflag:s12] =	ssyncadd.s32 $0xFFFFFFE0  }
0xb8: {  	s13 =	sld [smem:$0x0];
	_ =	sdelay $0x1  }
0xb9: {  	s14 =	srdreg.scid  }
0xba: {  	s15 =	sshrl.u32 s14, $0x2  }
0xbb: {  	s16 =	sand.u32 $0x2, s14;
	s1 =	sadd.s32 s15, s13  }
0xbc: {  	s4 =	sshll.u32 s16, $0xE;
	s1 =	sshll.u32 s1, $0x11  }
0xbd: {  	s1 =	sor.u32 s1, s4  }
0xbe: {  	s4 =	sor.u32 $0x11C01, s1  }
0xbf: {  	s17 =	sor.u32 $0x11C41, s1;
	[sflag:s4] =	ssyncadd.remote.s32 $0x1  }
0xc0: {  	s18 =	sor.u32 $0x11C81, s1;
	[sflag:s17] =	ssyncadd.remote.s32 $0x1  }
0xc1: {  	s19 =	sor.u32 $0x11CC1, s1;
	[sflag:s18] =	ssyncadd.remote.s32 $0x1  }
0xc2: {  	s20 =	sor.u32 $0x11D01, s1;
	[sflag:s19] =	ssyncadd.remote.s32 $0x1  }
0xc3: {  	s21 =	sor.u32 $0x11D41, s1;
	[sflag:s20] =	ssyncadd.remote.s32 $0x1  }
0xc4: {  	s22 =	sor.u32 $0x11D81, s1;
	[sflag:s21] =	ssyncadd.remote.s32 $0x1  }
0xc5: {  	s23 =	sor.u32 $0x11DC1, s1;
	[sflag:s22] =	ssyncadd.remote.s32 $0x1  }
0xc6: {  	s24 =	sor.u32 $0x11E01, s1;
	[sflag:s23] =	ssyncadd.remote.s32 $0x1  }
0xc7: {  	s25 =	sor.u32 $0x11E41, s1;
	[sflag:s24] =	ssyncadd.remote.s32 $0x1  }
0xc8: {  	s26 =	sor.u32 $0x11E81, s1;
	[sflag:s25] =	ssyncadd.remote.s32 $0x1  }
0xc9: {  	s28 =	sor.u32 $0x11EC1, s1;
	[sflag:s26] =	ssyncadd.remote.s32 $0x1  }
0xca: {  	s1 =	sor.u32 $0x11F01, s1;
	[sflag:s28] =	ssyncadd.remote.s32 $0x1  }
0xcb: {  	[sflag:s1] =	ssyncadd.remote.s32 $0x1  }
0xcc: {  	_ =	strace $0x90000046  }
0xcd: {  	s29 =	simm.s32 $0x9;
	_ =	strace $0x80000048  }
0xce: {  	_ =	swait.ge [sflag:s29], $0x1  }
0xcf: {  	[sflag:s29] =	ssyncadd.s32 $0xFFFFFFFF  }
0xd0: {  	_ =	strace $0x90000048  }
0xd1: {  	_ =	sfence  }
0xd2: {  	s30 =	sld [smem:$0x0];
	_ =	sdelay $0x2  }
0xd3: {  	s31 =	sshll.u32 s14, $0xD  }
0xd4: {  	s2 =	sand.u32 $0x1, s14;
	s4 =	sand.u32 $0x4000, s31;
	s1 =	sadd.s32 s15, s30  }
0xd5: {  	s2 =	sor.u32 s4, s2;
	s1 =	sshll.u32 s1, $0x11  }
0xd6: {  	s1 =	sor.u32 s1, s2  }
0xd7: {  	s1 =	sadd.s32 $0x8F2B, s1  }
0xd8: {  	[sflag:s1] =	ssyncadd.remote.s32 $0x1  }
0xd9: {  	_ =	sfence.sel $0xFFFF  }
0xda: {  	[dreg:$0x0] =	wrdreg $0xFFFFFFFF;
	(pc) =	sbr.abs _section_cstart, $3  }
0xdb: {  	[dreg:$0x1] =	wrdreg $0xFFFFFFFF  }
0xdc: {  	_ =	task.clear_ibuf [dreg:s0], $0x2FFFF;
	_ =	strace $0x9FFFFFFF  }
0xdd: {  	(tm) =	ssettm $0x7FFFFFFF  }
tec
execute0_lowered:
.L_overlay_start_1:
0x0: {  	(tag) =	ssettag $0x1  }
0x1: {  	s0 =	rddreg [dreg:$0x0]  }
0x2: {  	s1 =	rddreg [dreg:$0x1];
	s3 =	stileid.u32  }
0x3: {  	s2 =	rddreg [dreg:$0x2];
	p0 =	sgt.u32 s3, $0xC  }
0x4: {  	s4 =	rddreg [dreg:$0x3];
	s6 =	simm.s32 $0x0;
	s7 =	sshll.u32 @!p0 s3, $0x4  }
0x5: {  	[smem:$0x7FF] =	sst s6;
	s6 =	smin.u32 @!p0 s7, $0xB8  }
0x6: {  	s5 =	rddreg [dreg:$0x4];
	_ =	strace $0x80000047;
	s7 =	sshll.u32 @!p0 s6, $0x4  }
0x7: {  	s8 =	simm.s32 @!p0 $0x490;
	s1 =	sadd.s32 @!p0 s1, s7;
	s7 =	simm.s32 @!p0 $0x0  }
0x8: {  	[tilespmem:s8], [sflag:$0x2] =	stream.linear.gather @!p0 [hbm4b:s1+s7], $0x400, $0x38;
	[tilespmem:$0x1090] =	vst v63  }
0x9: {  	s1 =	sadd.s32 @!p0 $0x80, s1;
	s8 =	simm.s32 @!p0 $0xC90  }
0xa: {  	[tilespmem:s8], [sflag:$0x2] =	stream.linear.gather @!p0 [hbm4b:s1+s7], $0x400, $0x38;
	[tilespmem:$0x1090] =	vst v63  }
0xb: {  	s1 =	simm.s32 @!p0 $0x1  }
0xc: {  	_ =	swait.ge @!p0 [sflag:s1], $0x1  }
0xd: {  	[sflag:s1] =	ssyncset.done @!p0 $0x0  }
0xe: {  	s4 =	sadd.s32 @!p0 s6, s4;
	[sflag:s1] =	ssyncadd.s32 @!p0 $0xFFFFFFFF;
	s1 =	simm.s32 @!p0 $0x10  }
0xf: {  	[tilespmem:s1], [sflag:$0x4] =	stream.linear.gather @!p0 [spmem:s4], $0x10, $0x38;
	[tilespmem:$0x1090] =	vst v63  }
0x10: {  	s1 =	simm.s32 @!p0 $0x4  }
0x11: {  	_ =	swait.ge @!p0 [sflag:s1], $0x10  }
0x12: {  	[sflag:s1] =	ssyncset.done @!p0 $0x0  }
0x13: {  	[sflag:s1] =	ssyncadd.s32 @!p0 $0xFFFFFFF0  }
0x14: {  	v0 =	vld @!p0 [tilespmem:$0x10];
	_ =	sdelay $0x2  }
0x15: {  	v1 =	vlaneseq.u32 @!p0  }
0x16: {  	v2 =	vand.u32 @!p0 $0x7, v1;
	v3 =	vshrl.u32 @!p0 v1, $0x3  }
0x17: {  	v3 =	vmul.u32 @!p0 $0x8, v3;
	v2 =	vperm.xlane @!p0 v0, v2  }
0x18: {  	v1 =	vor.u32 @!p0 $0x8, v1  }
0x19: {  	v0 =	vperm.xlane @!p0 v0, v1;
	v2 =	vadd.s32 @!p0 v3, v2;
	_ =	sdelay $0x1  }
0x1a: {  	v0 =	vadd.s32 @!p0 v3, v0;
	_ =	sdelay $0x1  }
0x1b: {  	vm0 =	vmmov @!p0 $0xff;
	s4 =	simm.s32 @!p0 $0x90  }
0x1c: {  	[tilespmem:s4], [sflag:$0x3] =	stream.indirect_vreg.gather @!p0 [hbm4b:s0+s7], $0x80, v2, vm0, $0xb8;
	[tilespmem:$0x1090] =	vst v63  }
0x1d: {  	s8 =	simm.s32 @!p0 $0x890  }
0x1e: {  	[tilespmem:s8], [sflag:$0x3] =	stream.indirect_vreg.gather @!p0 [hbm4b:s0+s7], $0x80, v0, vm0, $0xb8;
	[tilespmem:$0x1090] =	vst v63  }
0x1f: {  	s0 =	simm.s32 @!p0 $0x2  }
0x20: {  	_ =	swait.ge @!p0 [sflag:s0], $0x800  }
0x21: {  	[sflag:s0] =	ssyncset.done @!p0 $0x0  }
0x22: {  	[sflag:s0] =	ssyncadd.s32 @!p0 $0xFFFFF800;
	s0 =	simm.s32 @!p0 $0x3  }
0x23: {  	_ =	swait.ge @!p0 [sflag:s0], $0x800  }
0x24: {  	s6 =	sshll.u32 @!p0 s6, $0x5;
	[sflag:s0] =	ssyncset.done @!p0 $0x0  }
0x25: {  	s2 =	sadd.s32 @!p0 s2, s6;
	[sflag:s0] =	ssyncadd.s32 @!p0 $0xFFFFF800  }
0x26: {  	[hbm4b:s2+s7] =	stream.linear.scatter @!p0 [tilespmem:s4], [sflag:$0x4], $0x1000, $0x38;
	[tilespmem:$0x1090] =	vst v63  }
0x27: {  	_ =	swait.ge @!p0 [sflag:s1], $0x1000  }
0x28: {  	[sflag:s1] =	ssyncset.done @!p0 $0x0  }
0x29: {  	[sflag:s1] =	ssyncadd.s32 @!p0 $0xFFFFF000  }
0x2a: {  	_ =	sfence.sel $0x180000  }
0x2b: {  	[bflag:$0x0] =	sbarrier.arrive $0xFFFF  }
0x2c: {  	p0 =	sne.s32 s3, $0x0;
	_ =	strace $0x90000047  }
0x2d: {  	s0 =	sadd.s32 @!p0 $0x100000, s5;
	[bflag:$0x2] =	sbarrier.arrive $0xFFFF  }
0x2e: {  	[sflag:s0] =	ssyncadd.tile.s32 @!p0 $0x1;
	_ =	shalt  }
.Lfunc_end2:
_tile_overlayer_lowered:
.L_overlay_start_2:
0x2f: {  	(tag) =	ssettag $0x2  }
0x30: {  	s0 =	rddreg [dreg:$0x0];
	s2 =	stileid.u32  }
0x31: {  	s1 =	rddreg [dreg:$0x1];
	p0 =	sne.s32 s2, $0x0  }
0x32: {  	s3 =	rddreg [dreg:$0x2];
	[bflag:$0x3] =	sbarrier.arrive $0xFFFF;
	s2 =	simm.s32 @!p0 $0x1C04  }
0x33: {  	[timem:s3], [sflag:s2] =	dma.local @!p0 [hbm:s0], s1  }
0x34: {  	s0 =	simm.s32 @!p0 $0x4  }
0x35: {  	_ =	swait.ge @!p0 [sflag:s0], s1  }
0x36: {  	s1 =	ssub.s32 @!p0 $0x0, s1;
	[sflag:s0] =	ssyncset.done @!p0 $0x0  }
0x37: {  	[sflag:s0] =	ssyncadd.s32 @!p0 s1  }
0x38: {  	[bflag:$0x3] =	sbarrier.arrive $0xFFFF  }
0x39: {  	_ =	shalt  }

</sc_bundles>
